<compile_context>
chip_gen: v7x
topology: tpu7x:2x2x1
jax: 0.10.2.dev20260603
libtpu: 0.0.44.dev20260713+nightly
codegen_flags: <defaults>
</compile_context>

<pallas_src>
import functools

import jax
import jax.numpy as jnp
from jax import lax
from jax.experimental import pallas as pl
from jax.experimental.pallas import tpu as pltpu
from jax.experimental.pallas import tpu_sc as plsc

_N_METROS = 1000
_BATCH = 16384

_NC = 1
_NS = 16
_NW = _NC * _NS
_BPW = _BATCH // _NW
_L = 16
_UNROLL = 1

_mesh = plsc.VectorSubcoreMesh(
    core_axis_name="c", subcore_axis_name="s", num_cores=_NC)

_TANH_C = (-4.6715236e-06, 1.2557888e-04, -1.4403777e-03, 9.386843e-03,
           -3.983714e-02, 1.24349914e-01, -3.309435e-01, 9.998863e-01)
_TANH_R = 2.5


def _scaled_tanh_poly(x, scale):
    xc = jnp.minimum(jnp.maximum(x, -_TANH_R), _TANH_R)
    u = xc * xc
    p = _TANH_C[0] * scale
    for c in _TANH_C[1:]:
        p = p * u + c * scale
    return xc * p


@functools.partial(
    pl.kernel,
    out_type=jax.ShapeDtypeStruct((_BATCH,), jnp.float32),
    mesh=_mesh,
    compiler_params=pltpu.CompilerParams(needs_layout_passes=False),
    scratch_types=[
        pltpu.VMEM((_BPW,), jnp.int32),
        pltpu.VMEM((_BPW,), jnp.float32),
        pltpu.VMEM((_BPW,), jnp.float32),
        pltpu.VMEM((_N_METROS,), jnp.float32),
        pltpu.VMEM((_N_METROS,), jnp.float32),
        pltpu.SemaphoreType.DMA,
    ],
)
def _metro_affine(logits_hbm, idx_hbm, s_hbm, b_hbm, out_hbm,
                  idx_v, lg_v, out_v, s_v, b_v, sem):
    wid = lax.axis_index("s") * _NC + lax.axis_index("c")
    base = wid * _BPW
    cp_i = pltpu.async_copy(idx_hbm.at[pl.ds(base, _BPW)], idx_v, sem)
    cp_l = pltpu.async_copy(logits_hbm.at[pl.ds(base, _BPW)], lg_v, sem)
    cp_s = pltpu.async_copy(s_hbm, s_v, sem)
    cp_b = pltpu.async_copy(b_hbm, b_v, sem)
    cp_i.wait()
    cp_l.wait()
    cp_s.wait()
    cp_b.wait()
    @plsc.parallel_loop(0, _BPW, step=_L, unroll=_UNROLL)
    def _chunk(off):
        sl = pl.ds(off, _L)
        idx = idx_v[sl]
        scale_m1 = _scaled_tanh_poly(plsc.load_gather(s_v, [idx]), 0.2)
        shift = _scaled_tanh_poly(plsc.load_gather(b_v, [idx]), 0.2)
        lg = lg_v[sl]
        out_v[sl] = lg + lg * scale_m1 + shift

    pltpu.sync_copy(out_v, out_hbm.at[pl.ds(base, _BPW)])


def kernel(logits, metro_idx, s_weight, b_weight):
    idx = metro_idx.astype(jnp.int32)
    return _metro_affine(logits, idx,
                         s_weight.reshape(_N_METROS),
                         b_weight.reshape(_N_METROS))

# --- scband reference (transcript-rebuilt; emitter-appended) ---
"""Pipeline reference for scband-metro-affine-86689619903442 (READ-ONLY COPY).

The authoritative reference and input builder live on the scoring server;
editing this copy changes nothing except your own understanding.
"""

import jax, jax.numpy as jnp
import numpy as np

ALPHA = 0.2
BETA = 0.2
N_METROS = 1000
BATCH = 16384

def setup_inputs(seed: int = 0) -> dict:
    key = jax.random.key(seed)
    k1, k2, k3, k4 = jax.random.split(key, 4)
    logits = jax.random.normal(k1, (BATCH,), dtype=jnp.float32)
    metro_idx = jax.random.randint(k2, (BATCH,), 0, N_METROS, dtype=jnp.int64)
    # Learned embedding tables (torch inits to zeros; use small random for a nontrivial reference)
    s_weight = jax.random.normal(k3, (N_METROS, 1), dtype=jnp.float32) * 0.1
    b_weight = jax.random.normal(k4, (N_METROS, 1), dtype=jnp.float32) * 0.1
    return {"logits": logits, "metro_idx": metro_idx, "s_weight": s_weight, "b_weight": b_weight}

def reference(logits, metro_idx, s_weight, b_weight):
    m = metro_idx.astype(jnp.int32)
    s_raw = jnp.take(s_weight, m, axis=0).squeeze(-1)
    b_raw = jnp.take(b_weight, m, axis=0).squeeze(-1)
    scale = 1.0 + ALPHA * jnp.tanh(s_raw)
    shift = BETA * jnp.tanh(b_raw)
    return logits * scale + shift

if __name__ == "__main__":
    import jax
    _d = setup_inputs()
    print(jax.jit(kernel)(*tuple(_d.values())))

</pallas_src>

<mosaic_0001>
#map = affine_map<(d0, d1) -> (0)>
module attributes {stable_mosaic.version = 14 : i64} {
  func.func @_metro_affine(%arg0: i32, %arg1: i32, %arg2: memref<16384xf32, #tpu.memory_space<hbm>>, %arg3: memref<16384xi32, #tpu.memory_space<hbm>>, %arg4: memref<1000xf32, #tpu.memory_space<hbm>>, %arg5: memref<1000xf32, #tpu.memory_space<hbm>>, %arg6: memref<16384xf32, #tpu.memory_space<hbm>>, %arg7: memref<1024xi32, #tpu.memory_space<vmem>>, %arg8: memref<1024xf32, #tpu.memory_space<vmem>>, %arg9: memref<1024xf32, #tpu.memory_space<vmem>>, %arg10: memref<1000xf32, #tpu.memory_space<vmem>>, %arg11: memref<1000xf32, #tpu.memory_space<vmem>>, %arg12: memref<!tpu.dma_semaphore, #tpu.memory_space<semaphore_mem>>) attributes {dimension_semantics = [#tpu.dimension_semantics<core_parallel>, #tpu.dimension_semantics<subcore_parallel>], iteration_bounds = array<i64: 1, 16>, scalar_prefetch = 0 : i64, scratch_operands = 6 : i64, tpu.core_type = #tpu.core_type<sc_vector_subcore>, window_params = [{transform_indices = #map}, {transform_indices = #map}, {transform_indices = #map}, {transform_indices = #map}, {transform_indices = #map}]} {
    %mul3A = arith.constant 1 : i32
    %mul3A_0 = arith.muli %arg1, %mul3A : i32
    %add3A = arith.addi %mul3A_0, %arg0 : i32
    %mul3A_1 = arith.constant 1024 : i32
    %mul3A_2 = arith.muli %add3A, %mul3A_1 : i32
    %dma_start3A = tpu.memref_slice %arg3[%mul3A_2] : memref<16384xi32, #tpu.memory_space<hbm>> -> memref<1024xi32, #tpu.memory_space<hbm>>
    %dma_start3A_3 = tpu.memref_slice %arg3[%mul3A_2] : memref<16384xi32, #tpu.memory_space<hbm>> -> memref<1024xi32, #tpu.memory_space<hbm>>
    tpu.enqueue_dma source(%dma_start3A_3 : memref<1024xi32, #tpu.memory_space<hbm>>) target(%arg7 : memref<1024xi32, #tpu.memory_space<vmem>>) target_semaphore(%arg12 : memref<!tpu.dma_semaphore, #tpu.memory_space<semaphore_mem>>)
    %dma_start3A_4 = tpu.memref_slice %arg2[%mul3A_2] : memref<16384xf32, #tpu.memory_space<hbm>> -> memref<1024xf32, #tpu.memory_space<hbm>>
    %dma_start3A_5 = tpu.memref_slice %arg2[%mul3A_2] : memref<16384xf32, #tpu.memory_space<hbm>> -> memref<1024xf32, #tpu.memory_space<hbm>>
    tpu.enqueue_dma source(%dma_start3A_5 : memref<1024xf32, #tpu.memory_space<hbm>>) target(%arg8 : memref<1024xf32, #tpu.memory_space<vmem>>) target_semaphore(%arg12 : memref<!tpu.dma_semaphore, #tpu.memory_space<semaphore_mem>>)
    tpu.enqueue_dma source(%arg4 : memref<1000xf32, #tpu.memory_space<hbm>>) target(%arg10 : memref<1000xf32, #tpu.memory_space<vmem>>) target_semaphore(%arg12 : memref<!tpu.dma_semaphore, #tpu.memory_space<semaphore_mem>>)
    tpu.enqueue_dma source(%arg5 : memref<1000xf32, #tpu.memory_space<hbm>>) target(%arg11 : memref<1000xf32, #tpu.memory_space<vmem>>) target_semaphore(%arg12 : memref<!tpu.dma_semaphore, #tpu.memory_space<semaphore_mem>>)
    %dma_wait3A = tpu.memref_slice %arg3[%mul3A_2] : memref<16384xi32, #tpu.memory_space<hbm>> -> memref<1024xi32, #tpu.memory_space<hbm>>
    %dma_wait3A_6 = tpu.memref_slice %arg3[%mul3A_2] : memref<16384xi32, #tpu.memory_space<hbm>> -> memref<1024xi32, #tpu.memory_space<hbm>>
    tpu.wait_dma2 semaphore(%arg12 : memref<!tpu.dma_semaphore, #tpu.memory_space<semaphore_mem>>) src(%dma_wait3A_6 : memref<1024xi32, #tpu.memory_space<hbm>>) dst(%arg7 : memref<1024xi32, #tpu.memory_space<vmem>>)
    %dma_wait3A_7 = tpu.memref_slice %arg2[%mul3A_2] : memref<16384xf32, #tpu.memory_space<hbm>> -> memref<1024xf32, #tpu.memory_space<hbm>>
    %dma_wait3A_8 = tpu.memref_slice %arg2[%mul3A_2] : memref<16384xf32, #tpu.memory_space<hbm>> -> memref<1024xf32, #tpu.memory_space<hbm>>
    tpu.wait_dma2 semaphore(%arg12 : memref<!tpu.dma_semaphore, #tpu.memory_space<semaphore_mem>>) src(%dma_wait3A_8 : memref<1024xf32, #tpu.memory_space<hbm>>) dst(%arg8 : memref<1024xf32, #tpu.memory_space<vmem>>)
    tpu.wait_dma2 semaphore(%arg12 : memref<!tpu.dma_semaphore, #tpu.memory_space<semaphore_mem>>) src(%arg4 : memref<1000xf32, #tpu.memory_space<hbm>>) dst(%arg10 : memref<1000xf32, #tpu.memory_space<vmem>>)
    tpu.wait_dma2 semaphore(%arg12 : memref<!tpu.dma_semaphore, #tpu.memory_space<semaphore_mem>>) src(%arg5 : memref<1000xf32, #tpu.memory_space<hbm>>) dst(%arg11 : memref<1000xf32, #tpu.memory_space<vmem>>)
    %parallel_loop3A = arith.constant 0 : i32
    %parallel_loop3A_9 = arith.constant 1024 : i32
    %parallel_loop3A_10 = arith.constant 16 : i32
    scf.for %parallel_loop3A_11 = %parallel_loop3A to %parallel_loop3A_9 step %parallel_loop3A_10  : i32 {
      %parallel_loop3A_12 = arith.index_cast %parallel_loop3A_11 : i32 to index
      %parallel_loop3A_13 = tpu.vector_load %arg7[%parallel_loop3A_12] {strides = array<i32>} : memref<1024xi32, #tpu.memory_space<vmem>>, vector<16xi32>,
      %parallel_loop3A_14 = tpu.vector_load_idx %arg10[%parallel_loop3A_13] : memref<1000xf32, #tpu.memory_space<vmem>>[vector<16xi32>], vector<16xf32>,
      %parallel_loop3A_15 = arith.constant -2.500000e+00 : f32
      %parallel_loop3A_16 = vector.broadcast %parallel_loop3A_15 : f32 to vector<16xf32>
      %parallel_loop3A_17 = arith.maximumf %parallel_loop3A_14, %parallel_loop3A_16 : vector<16xf32>
      %parallel_loop3A_18 = arith.constant 2.500000e+00 : f32
      %parallel_loop3A_19 = vector.broadcast %parallel_loop3A_18 : f32 to vector<16xf32>
      %parallel_loop3A_20 = arith.minimumf %parallel_loop3A_17, %parallel_loop3A_19 : vector<16xf32>
      %parallel_loop3A_21 = arith.mulf %parallel_loop3A_20, %parallel_loop3A_20 : vector<16xf32>
      %parallel_loop3A_22 = arith.constant -9.34304694E-7 : f32
      %parallel_loop3A_23 = vector.broadcast %parallel_loop3A_22 : f32 to vector<16xf32>
      %parallel_loop3A_24 = arith.mulf %parallel_loop3A_23, %parallel_loop3A_21 : vector<16xf32>
      %parallel_loop3A_25 = arith.constant 2.51157762E-5 : f32
      %parallel_loop3A_26 = vector.broadcast %parallel_loop3A_25 : f32 to vector<16xf32>
      %parallel_loop3A_27 = arith.addf %parallel_loop3A_24, %parallel_loop3A_26 : vector<16xf32>
      %parallel_loop3A_28 = arith.mulf %parallel_loop3A_27, %parallel_loop3A_21 : vector<16xf32>
      %parallel_loop3A_29 = arith.constant -2.88075535E-4 : f32
      %parallel_loop3A_30 = vector.broadcast %parallel_loop3A_29 : f32 to vector<16xf32>
      %parallel_loop3A_31 = arith.addf %parallel_loop3A_28, %parallel_loop3A_30 : vector<16xf32>
      %parallel_loop3A_32 = arith.mulf %parallel_loop3A_31, %parallel_loop3A_21 : vector<16xf32>
      %parallel_loop3A_33 = arith.constant 0.00187736854 : f32
      %parallel_loop3A_34 = vector.broadcast %parallel_loop3A_33 : f32 to vector<16xf32>
      %parallel_loop3A_35 = arith.addf %parallel_loop3A_32, %parallel_loop3A_34 : vector<16xf32>
      %parallel_loop3A_36 = arith.mulf %parallel_loop3A_35, %parallel_loop3A_21 : vector<16xf32>
      %parallel_loop3A_37 = arith.constant -0.0079674283 : f32
      %parallel_loop3A_38 = vector.broadcast %parallel_loop3A_37 : f32 to vector<16xf32>
      %parallel_loop3A_39 = arith.addf %parallel_loop3A_36, %parallel_loop3A_38 : vector<16xf32>
      %parallel_loop3A_40 = arith.mulf %parallel_loop3A_39, %parallel_loop3A_21 : vector<16xf32>
      %parallel_loop3A_41 = arith.constant 0.0248699822 : f32
      %parallel_loop3A_42 = vector.broadcast %parallel_loop3A_41 : f32 to vector<16xf32>
      %parallel_loop3A_43 = arith.addf %parallel_loop3A_40, %parallel_loop3A_42 : vector<16xf32>
      %parallel_loop3A_44 = arith.mulf %parallel_loop3A_43, %parallel_loop3A_21 : vector<16xf32>
      %parallel_loop3A_45 = arith.constant -6.618870e-02 : f32
      %parallel_loop3A_46 = vector.broadcast %parallel_loop3A_45 : f32 to vector<16xf32>
      %parallel_loop3A_47 = arith.addf %parallel_loop3A_44, %parallel_loop3A_46 : vector<16xf32>
      %parallel_loop3A_48 = arith.mulf %parallel_loop3A_47, %parallel_loop3A_21 : vector<16xf32>
      %parallel_loop3A_49 = arith.constant 0.199977264 : f32
      %parallel_loop3A_50 = vector.broadcast %parallel_loop3A_49 : f32 to vector<16xf32>
      %parallel_loop3A_51 = arith.addf %parallel_loop3A_48, %parallel_loop3A_50 : vector<16xf32>
      %parallel_loop3A_52 = arith.mulf %parallel_loop3A_20, %parallel_loop3A_51 : vector<16xf32>
      %parallel_loop3A_53 = tpu.vector_load_idx %arg11[%parallel_loop3A_13] : memref<1000xf32, #tpu.memory_space<vmem>>[vector<16xi32>], vector<16xf32>,
      %parallel_loop3A_54 = arith.constant -2.500000e+00 : f32
      %parallel_loop3A_55 = vector.broadcast %parallel_loop3A_54 : f32 to vector<16xf32>
      %parallel_loop3A_56 = arith.maximumf %parallel_loop3A_53, %parallel_loop3A_55 : vector<16xf32>
      %parallel_loop3A_57 = arith.constant 2.500000e+00 : f32
      %parallel_loop3A_58 = vector.broadcast %parallel_loop3A_57 : f32 to vector<16xf32>
      %parallel_loop3A_59 = arith.minimumf %parallel_loop3A_56, %parallel_loop3A_58 : vector<16xf32>
      %parallel_loop3A_60 = arith.mulf %parallel_loop3A_59, %parallel_loop3A_59 : vector<16xf32>
      %parallel_loop3A_61 = arith.constant -9.34304694E-7 : f32
      %parallel_loop3A_62 = vector.broadcast %parallel_loop3A_61 : f32 to vector<16xf32>
      %parallel_loop3A_63 = arith.mulf %parallel_loop3A_62, %parallel_loop3A_60 : vector<16xf32>
      %parallel_loop3A_64 = arith.constant 2.51157762E-5 : f32
      %parallel_loop3A_65 = vector.broadcast %parallel_loop3A_64 : f32 to vector<16xf32>
      %parallel_loop3A_66 = arith.addf %parallel_loop3A_63, %parallel_loop3A_65 : vector<16xf32>
      %parallel_loop3A_67 = arith.mulf %parallel_loop3A_66, %parallel_loop3A_60 : vector<16xf32>
      %parallel_loop3A_68 = arith.constant -2.88075535E-4 : f32
      %parallel_loop3A_69 = vector.broadcast %parallel_loop3A_68 : f32 to vector<16xf32>
      %parallel_loop3A_70 = arith.addf %parallel_loop3A_67, %parallel_loop3A_69 : vector<16xf32>
      %parallel_loop3A_71 = arith.mulf %parallel_loop3A_70, %parallel_loop3A_60 : vector<16xf32>
      %parallel_loop3A_72 = arith.constant 0.00187736854 : f32
      %parallel_loop3A_73 = vector.broadcast %parallel_loop3A_72 : f32 to vector<16xf32>
      %parallel_loop3A_74 = arith.addf %parallel_loop3A_71, %parallel_loop3A_73 : vector<16xf32>
      %parallel_loop3A_75 = arith.mulf %parallel_loop3A_74, %parallel_loop3A_60 : vector<16xf32>
      %parallel_loop3A_76 = arith.constant -0.0079674283 : f32
      %parallel_loop3A_77 = vector.broadcast %parallel_loop3A_76 : f32 to vector<16xf32>
      %parallel_loop3A_78 = arith.addf %parallel_loop3A_75, %parallel_loop3A_77 : vector<16xf32>
      %parallel_loop3A_79 = arith.mulf %parallel_loop3A_78, %parallel_loop3A_60 : vector<16xf32>
      %parallel_loop3A_80 = arith.constant 0.0248699822 : f32
      %parallel_loop3A_81 = vector.broadcast %parallel_loop3A_80 : f32 to vector<16xf32>
      %parallel_loop3A_82 = arith.addf %parallel_loop3A_79, %parallel_loop3A_81 : vector<16xf32>
      %parallel_loop3A_83 = arith.mulf %parallel_loop3A_82, %parallel_loop3A_60 : vector<16xf32>
      %parallel_loop3A_84 = arith.constant -6.618870e-02 : f32
      %parallel_loop3A_85 = vector.broadcast %parallel_loop3A_84 : f32 to vector<16xf32>
      %parallel_loop3A_86 = arith.addf %parallel_loop3A_83, %parallel_loop3A_85 : vector<16xf32>
      %parallel_loop3A_87 = arith.mulf %parallel_loop3A_86, %parallel_loop3A_60 : vector<16xf32>
      %parallel_loop3A_88 = arith.constant 0.199977264 : f32
      %parallel_loop3A_89 = vector.broadcast %parallel_loop3A_88 : f32 to vector<16xf32>
      %parallel_loop3A_90 = arith.addf %parallel_loop3A_87, %parallel_loop3A_89 : vector<16xf32>
      %parallel_loop3A_91 = arith.mulf %parallel_loop3A_59, %parallel_loop3A_90 : vector<16xf32>
      %parallel_loop3A_92 = arith.index_cast %parallel_loop3A_11 : i32 to index
      %parallel_loop3A_93 = tpu.vector_load %arg8[%parallel_loop3A_92] {strides = array<i32>} : memref<1024xf32, #tpu.memory_space<vmem>>, vector<16xf32>,
      %parallel_loop3A_94 = arith.mulf %parallel_loop3A_93, %parallel_loop3A_52 : vector<16xf32>
      %parallel_loop3A_95 = arith.addf %parallel_loop3A_93, %parallel_loop3A_94 : vector<16xf32>
      %parallel_loop3A_96 = arith.addf %parallel_loop3A_95, %parallel_loop3A_91 : vector<16xf32>
      %parallel_loop3A_97 = arith.index_cast %parallel_loop3A_11 : i32 to index
      %parallel_loop3A_98 = tpu.vector_load %arg9[%parallel_loop3A_97] {strides = array<i32>} : memref<1024xf32, #tpu.memory_space<vmem>>, vector<16xf32>,
      tpu.vector_store %arg9[%parallel_loop3A_97], %parallel_loop3A_96 {strides = array<i32>} : memref<1024xf32, #tpu.memory_space<vmem>>, vector<16xf32>,
    } {sc.loop_unroll_factor = 1 : i64, sc.parallel_access}
    "tpu.region"() ({
      %run_scoped3A = tpu.sem_alloc : memref<!tpu.dma_semaphore, #tpu.memory_space<semaphore_mem>>
      %dma_start3A_11 = tpu.memref_slice %arg6[%mul3A_2] : memref<16384xf32, #tpu.memory_space<hbm>> -> memref<1024xf32, #tpu.memory_space<hbm>>
      %dma_start3A_12 = tpu.memref_slice %arg6[%mul3A_2] : memref<16384xf32, #tpu.memory_space<hbm>> -> memref<1024xf32, #tpu.memory_space<hbm>>
      tpu.enqueue_dma source(%arg9 : memref<1024xf32, #tpu.memory_space<vmem>>) target(%dma_start3A_12 : memref<1024xf32, #tpu.memory_space<hbm>>) target_semaphore(%run_scoped3A : memref<!tpu.dma_semaphore, #tpu.memory_space<semaphore_mem>>)
      %dma_wait3A_13 = tpu.memref_slice %arg6[%mul3A_2] : memref<16384xf32, #tpu.memory_space<hbm>> -> memref<1024xf32, #tpu.memory_space<hbm>>
      %dma_wait3A_14 = tpu.memref_slice %arg6[%mul3A_2] : memref<16384xf32, #tpu.memory_space<hbm>> -> memref<1024xf32, #tpu.memory_space<hbm>>
      tpu.wait_dma2 semaphore(%run_scoped3A : memref<!tpu.dma_semaphore, #tpu.memory_space<semaphore_mem>>) src(%arg9 : memref<1024xf32, #tpu.memory_space<vmem>>) dst(%dma_wait3A_14 : memref<1024xf32, #tpu.memory_space<hbm>>)
      tpu.yield
    }) : () -> ()
    return
  }
}

</mosaic_0001>

<sc_bundles>
// kernel: kernel.3.cloned.1.call-start
scs
__scs_entry_jumppad:
0x0: {  	(pc) =	sbr.rel $0x88, $3  }
0x1: {  	(tag) =	ssettag $0x0;
	lr =	simm.s32 $0x1  }
0x2: {  	[smem:$0x3F9D] =	sst lr;
	_ =	strace $0xD0000000  }
0x3: {  	_ = 	snop  }
0x4: {  	_ = 	snop  }
0x5: {  	_ = 	snop  }
0x6: {  	_ = 	snop  }
0x7: {  	_ = 	snop  }
__scs_overlays_trampoline_lowered:
0x8: {  	[smem:$0x3FAC] =	sst s0  }
0x9: {  	[smem:$0x3FAD] =	sst s1  }
0xa: {  	[smem:$0x3FAE] =	sst s2  }
0xb: {  	[smem:$0x3FAF] =	sst s3  }
0xc: {  	[smem:$0x3FB0] =	sst s4  }
0xd: {  	[smem:$0x3FB1] =	sst s5  }
0xe: {  	[smem:$0x3FB2] =	sst s6  }
0xf: {  	[smem:$0x3FB3] =	sst s7  }
0x10: {  	[smem:$0x3FB4] =	sst s8  }
0x11: {  	[smem:$0x3FB5] =	sst s9;
	s0 =	simm.s32 @!p0 $0x0  }
0x12: {  	s1 =	sld [smem:$0x3F9B];
	s0 =	simm.s32 @p0 $0x1  }
0x13: {  	[smem:$0x3FB6] =	sst s0;
	s0 =	simm.s32 @!p1 $0x0  }
0x14: {  	s2 =	sld [smem:$0x3F9A];
	s0 =	simm.s32 @p1 $0x1  }
0x15: {  	[smem:$0x3FB7] =	sst s0;
	s0 =	simm.s32 @!p2 $0x0  }
0x16: {  	s3 =	sld [smem:$0x3FDB];
	s0 =	simm.s32 @p2 $0x1  }
0x17: {  	s4 =	simm.s32 $0x1BF5;
	[smem:$0x3FB9] =	sst s0  }
0x18: {  	s0 =	sld [smem:$0x3F9C];
	_ =	swait.ge [sflag:s4], $0x0  }
0x19: {  	s7 =	sld [smem:$0x3F9D]  }
0x1a: {  	s8 =	sadd.s32 $0xFFFFE003, lr  }
0x1b: {  	s9 =	sadd.s32 $0xFFFFFEF7, lr;
	s5 =	simm.s32 $0xFFFFFFFF;
	p2 =	slt.u32 s8, $0xFFFFF086  }
0x1c: {  	p1 =	slt.u32 s9, $0xF7A;
	s5 =	simm.s32 @!p2 $0x0  }
0x1d: {  	s5 =	simm.s32 @p1 $0x1;
	p0 =	seq.s32 s7, s2  }
0x1e: {  	s7 =	smul.u32 @!p0 $0xF7A, s2;
	p2 =	seq.s32 @!p0 s5, $0x0  }
0x1f: {  	s9 =	smul.u32 $0xF7A, s1;
	s8 =	simm.s32 @!p0 $0x1BF5;
	p2 =	por !p2, p0  }
0x20: {  	[sflag:s8] =	ssyncset.s32 @!p0 $0xFFFFF086;
	s6 =	sadd.s32 @!p0 s3, s7;
	s7 =	simm.s32 @!p0 $0x108  }
0x21: {  	s3 =	sadd.s32 s3, s9;
	s6 =	sadd.s32 @!p0 $0x88, s6;
	s7 =	simm.s32 @p2 $0x1082  }
0x22: {  	[simem:s7], [sflag:s8] =	dma.local @!p0 [hbm:s6], $0xF7A  }
0x23: {  	s9 =	sor.u32 $0xD0000000, s2;
	s6 =	simm.s32 $0x108;
	_ =	swait.ge @!p0 [sflag:s8], $0x0  }
0x24: {  	s3 =	sadd.s32 $0x88, s3;
	s6 =	simm.s32 @!p1 $0x1082;
	[sflag:s4] =	ssyncset.s32 $0xFFFFF086  }
0x25: {  	[simem:s6], [sflag:s4] =	dma.local [hbm:s3], $0xF7A  }
0x26: {  	[smem:$0x3F9D] =	sst s1;
	(tag) =	ssettag s2;
	_ =	strace s9  }
0x27: {  	s1 =	sld [smem:$0x3FAD]  }
0x28: {  	s2 =	sld [smem:$0x3FAE]  }
0x29: {  	s4 =	sld [smem:$0x3FB0]  }
0x2a: {  	p0 =	seq.s32 s5, $0x0;
	s5 =	sld [smem:$0x3FB1]  }
0x2b: {  	s6 =	sld [smem:$0x3FB2]  }
0x2c: {  	s7 =	sld [smem:$0x3FB3]  }
0x2d: {  	s3 =	simm.s32 $0x108;
	s8 =	sld [smem:$0x3FB4]  }
0x2e: {  	s3 =	simm.s32 @!p0 $0x1082;
	s9 =	sld [smem:$0x3FB5]  }
0x2f: {  	lr =	sadd.s32 s0, s3;
	s0 =	sld [smem:$0x3FAC]  }
0x30: {  	s3 =	sld [smem:$0x3FAF]  }
0x31: {  	[smem:$0x3FB8] =	sst s10  }
0x32: {  	s10 =	sld [smem:$0x3FB6];
	_ =	sdelay $0x3  }
0x33: {  	p0 =	seq.s32 s10, $0x1;
	s10 =	sld [smem:$0x3FB8];
	_ =	sdelay $0x3  }
0x34: {  	[smem:$0x3FB8] =	sst s10  }
0x35: {  	s10 =	sld [smem:$0x3FB7];
	_ =	sdelay $0x3  }
0x36: {  	p1 =	seq.s32 s10, $0x1;
	s10 =	sld [smem:$0x3FB8];
	_ =	sdelay $0x3  }
0x37: {  	[smem:$0x3FB8] =	sst s10  }
0x38: {  	s10 =	sld [smem:$0x3FB9]  }
0x39: {  	_ = 	snop;
	(pc) =	sbr.ind lr, $3  }
0x3a: {  	_ = 	snop  }
0x3b: {  	_ = 	snop  }
0x3c: {  	p2 =	seq.s32 s10, $0x1;
	s10 =	sld [smem:$0x3FB8]  }
0x3d: {  	_ =	shalt  }
0x3e: {  	_ =	shalt  }
0x3f: {  	_ =	shalt  }
0x40: {  	_ =	shalt  }
0x41: {  	_ =	shalt  }
0x42: {  	_ =	shalt  }
0x43: {  	_ =	shalt  }
0x44: {  	_ =	shalt  }
0x45: {  	_ =	shalt  }
0x46: {  	_ =	shalt  }
0x47: {  	_ =	shalt  }
0x48: {  	_ =	shalt  }
0x49: {  	_ =	shalt  }
0x4a: {  	_ =	shalt  }
0x4b: {  	_ =	shalt  }
0x4c: {  	_ =	shalt  }
0x4d: {  	_ =	shalt  }
0x4e: {  	_ =	shalt  }
0x4f: {  	_ =	shalt  }
0x50: {  	_ =	shalt  }
0x51: {  	_ =	shalt  }
0x52: {  	_ =	shalt  }
0x53: {  	_ =	shalt  }
0x54: {  	_ =	shalt  }
0x55: {  	_ =	shalt  }
0x56: {  	_ =	shalt  }
0x57: {  	_ =	shalt  }
0x58: {  	_ =	shalt  }
0x59: {  	_ =	shalt  }
0x5a: {  	_ =	shalt  }
0x5b: {  	_ =	shalt  }
0x5c: {  	_ =	shalt  }
0x5d: {  	_ =	shalt  }
0x5e: {  	_ =	shalt  }
0x5f: {  	_ =	shalt  }
0x60: {  	_ =	shalt  }
0x61: {  	_ =	shalt  }
0x62: {  	_ =	shalt  }
0x63: {  	_ =	shalt  }
0x64: {  	_ =	shalt  }
0x65: {  	_ =	shalt  }
0x66: {  	_ =	shalt  }
0x67: {  	_ =	shalt  }
0x68: {  	_ =	shalt  }
0x69: {  	_ =	shalt  }
0x6a: {  	_ =	shalt  }
0x6b: {  	_ =	shalt  }
0x6c: {  	_ =	shalt  }
0x6d: {  	_ =	shalt  }
0x6e: {  	_ =	shalt  }
0x6f: {  	_ =	shalt  }
0x70: {  	_ =	shalt  }
0x71: {  	_ =	shalt  }
0x72: {  	_ =	shalt  }
0x73: {  	_ =	shalt  }
0x74: {  	_ =	shalt  }
0x75: {  	_ =	shalt  }
0x76: {  	_ =	shalt  }
0x77: {  	_ =	shalt  }
0x78: {  	_ =	shalt  }
0x79: {  	_ =	shalt  }
0x7a: {  	_ =	shalt  }
0x7b: {  	_ =	shalt  }
0x7c: {  	_ =	shalt  }
0x7d: {  	_ =	shalt  }
0x7e: {  	_ =	shalt  }
0x7f: {  	_ =	shalt  }
0x80: {  	_ =	shalt  }
0x81: {  	_ =	shalt  }
0x82: {  	_ =	shalt  }
0x83: {  	_ =	shalt  }
0x84: {  	_ =	shalt  }
0x85: {  	_ =	shalt  }
0x86: {  	_ =	shalt  }
0x87: {  	_ =	shalt  }
.Lfunc_end0:
.L_simem_size_0:
called_computation_lowered:
.L_overlay_start_0:
0x88: {  	s0 =	sld [smem:$0x3FD9]  }
0x89: {  	s1 =	sld [smem:$0x3FFE];
	_ =	sdelay $0x3  }
0x8a: {  	s0 =	sadd.s32 s1, s0  }
0x8b: {  	[smem:$0x3FC4] =	sst s0  }
0x8c: {  	_ = 	snop  }
0x8d: {  	s0 =	sld [smem:$0x3FC9]  }
0x8e: {  	s17 =	sld [smem:$0x3FC8]  }
0x8f: {  	s2 =	sld [smem:$0x3FC7]  }
0x90: {  	s3 =	sld [smem:$0x3FC6]  }
0x91: {  	s4 =	sld [smem:$0x3FD0];
	(tm) =	ssettm $0x1  }
0x92: {  	s5 =	sld [smem:$0x3FFB];
	_ =	sdelay $0x3  }
0x93: {  	_ =	strace s5  }
0x94: {  	s5 =	sld [smem:$0x3FFC];
	_ =	sdelay $0x3  }
0x95: {  	_ =	strace s5  }
0x96: {  	s5 =	sld [smem:$0x3FFD];
	_ =	sdelay $0x3  }
0x97: {  	_ =	strace s5  }
0x98: {  	_ =	strace $0x8FFFFFFF  }
0x99: {  	s18 =	sld [smem:$0x3FDB];
	_ =	sdelay $0x1  }
0x9a: {  	s6 =	simm.s32 $_scs_section_size  }
0x9b: {  	s7 =	simm.s32 $_size__tile_overlayer_lowered;
	s8 =	simm.s32 $_tile_overlayer_lowered  }
0x9c: {  	s21 =	simm.s32 $0x1BFF;
	s20 =	sshll.u32 s8, $0x1;
	s5 =	sadd.s32 s6, s18  }
0x9d: {  	s9 =	simm.s32 $0x0;
	s19 =	sshll.u32 s7, $0x1;
	s7 =	sadd.s32 s20, s5  }
0x9e: {  	[timem:s9], [sflag:s21] =	dma.local [hbm:s7], s19  }
0x9f: {  	_ =	swait.ge [sflag:s21], s19  }
0xa0: {  	s6 =	ssub.s32 $0x0, s19;
	[sflag:s21] =	ssyncset.done $0x0  }
0xa1: {  	[sflag:s21] =	ssyncadd.s32 s6;
	_ =	sdelay $0x1  }
0xa2: {  	s22 =	simm.s32 $0x1B8B  }
0xa3: {  	_ =	swait.ge [sflag:s22], $0x1  }
0xa4: {  	[sflag:s22] =	ssyncset.done $0x0  }
0xa5: {  	s23 =	simm.s32 $0x1B8E;
	[sflag:s22] =	ssyncadd.s32 $0xFFFFFFFF  }
0xa6: {  	s24 =	simm.s32 $execute0_lowered;
	[smem:$0x3FD2] =	sst s23  }
0xa7: {  	s6 =	sshll.u32 s24, $0x1;
	_ =	strace $0x80000046;
	[dreg:$0x1] =	wrdreg $0xFFFFFFFF  }
0xa8: {  	s25 =	simm.s32 $_size_execute0_lowered;
	s5 =	sadd.s32 s5, s6;
	[dreg:$0x0] =	wrdreg $0x0  }
0xa9: {  	s6 =	sshll.u32 s25, $0x1;
	[dreg:$0x2] =	wrdreg s5  }
0xaa: {  	[dreg:$0x3] =	wrdreg s6  }
0xab: {  	[dreg:$0x4] =	wrdreg $0xC0  }
0xac: {  	_ =	task [dreg:s9], $0x5FFFF  }
0xad: {  	[dreg:$0x1] =	wrdreg $0xFFFFFFFF  }
0xae: {  	[dreg:$0x0] =	wrdreg $0x60  }
0xaf: {  	[dreg:$0x2] =	wrdreg s0  }
0xb0: {  	[dreg:$0x3] =	wrdreg s17  }
0xb1: {  	[dreg:$0x4] =	wrdreg s2  }
0xb2: {  	[dreg:$0x5] =	wrdreg s3  }
0xb3: {  	[dreg:$0x6] =	wrdreg s4  }
0xb4: {  	[dreg:$0x7] =	wrdreg $0x9  }
0xb5: {  	_ =	task.clear_ibuf [dreg:s9], $0x8FFFF;
	_ =	strace $0x90000046  }
0xb6: {  	s26 =	simm.s32 $0x9;
	_ =	strace $0x80000048  }
0xb7: {  	_ =	swait.ge [sflag:s26], $0x1  }
0xb8: {  	[sflag:s26] =	ssyncadd.s32 $0xFFFFFFFF  }
0xb9: {  	_ =	strace $0x90000048  }
0xba: {  	_ =	sfence  }
0xbb: {  	s28 =	sld [smem:$0x0];
	_ =	sdelay $0x1  }
0xbc: {  	s29 =	srdreg.scid  }
0xbd: {  	s30 =	sshll.u32 s29, $0xD;
	s31 =	sshrl.u32 s29, $0x2  }
0xbe: {  	s1 =	sand.u32 $0x1, s29;
	s2 =	sand.u32 $0x4000, s30;
	s0 =	sadd.s32 s31, s28  }
0xbf: {  	s1 =	sor.u32 s2, s1;
	s0 =	sshll.u32 s0, $0x11  }
0xc0: {  	s0 =	sor.u32 s0, s1  }
0xc1: {  	s0 =	sadd.s32 $0x8F2B, s0  }
0xc2: {  	[sflag:s0] =	ssyncadd.remote.s32 $0x1  }
0xc3: {  	_ =	sfence.sel $0xFFFF  }
0xc4: {  	[dreg:$0x0] =	wrdreg $0xFFFFFFFF;
	(pc) =	sbr.abs _section_cstart, $3  }
0xc5: {  	[dreg:$0x1] =	wrdreg $0xFFFFFFFF  }
0xc6: {  	_ =	task.clear_ibuf [dreg:s9], $0x2FFFF;
	_ =	strace $0x9FFFFFFF  }
0xc7: {  	(tm) =	ssettm $0x7FFFFFFF  }
tec
execute0_lowered:
.L_overlay_start_1:
0x0: {  	(tag) =	ssettag $0x1  }
0x1: {  	s4 =	rddreg [dreg:$0x0]  }
0x2: {  	s5 =	rddreg [dreg:$0x1]  }
0x3: {  	s6 =	rddreg [dreg:$0x2]  }
0x4: {  	s7 =	rddreg [dreg:$0x3]  }
0x5: {  	s2 =	rddreg [dreg:$0x4];
	s8 =	simm.s32 $0x0;
	s1 =	stileid.u32  }
0x6: {  	[smem:$0x7FF] =	sst s8;
	s3 =	sshll.u32 s1, $0x7  }
0x7: {  	s0 =	rddreg [dreg:$0x5];
	_ =	strace $0x80000047;
	s5 =	sadd.s32 s5, s3  }
0x8: {  	[tilespmem:s8], [sflag:$0x1] =	stream.linear.gather [hbm4b:s5+s8], $0x400, $0x38;
	[tilespmem:$0x1400] =	vst v63  }
0x9: {  	s25 =	sadd.s32 s4, s3;
	s4 =	simm.s32 $0x400  }
0xa: {  	[tilespmem:s4], [sflag:$0x1] =	stream.linear.gather [hbm4b:s25+s8], $0x400, $0x38;
	[tilespmem:$0x1400] =	vst v63  }
0xb: {  	s5 =	simm.s32 $0xC00  }
0xc: {  	[tilespmem:s5], [sflag:$0x1] =	stream.linear.gather [hbm4b:s6+s8], $0x400, $0x38;
	[tilespmem:$0x1400] =	vst v63  }
0xd: {  	s26 =	simm.s32 $0x1;
	s6 =	simm.s32 $0x1000  }
0xe: {  	[tilespmem:s6], [sflag:$0x1] =	stream.linear.gather [hbm4b:s7+s8], $0x400, $0x38;
	[tilespmem:$0x1400] =	vst v63  }
0xf: {  	_ =	swait.ge [sflag:s26], $0x400  }
0x10: {  	[sflag:s26] =	ssyncset.done $0x0  }
0x11: {  	[sflag:s26] =	ssyncadd.s32 $0xFFFFFC00  }
0x12: {  	_ =	swait.ge [sflag:s26], $0x400  }
0x13: {  	[sflag:s26] =	ssyncset.done $0x0  }
0x14: {  	[sflag:s26] =	ssyncadd.s32 $0xFFFFFC00  }
0x15: {  	_ =	swait.ge [sflag:s26], $0x400  }
0x16: {  	[sflag:s26] =	ssyncset.done $0x0  }
0x17: {  	[sflag:s26] =	ssyncadd.s32 $0xFFFFFC00  }
0x18: {  	_ =	swait.ge [sflag:s26], $0x400  }
0x19: {  	[sflag:s26] =	ssyncset.done $0x0  }
0x1a: {  	[sflag:s26] =	ssyncadd.s32 $0xFFFFFC00  }
0x1b: {  	v0 =	vld [tilespmem:s8+$0x0];
	_ =	sdelay $0x7  }
0x1c: {  	v1 =	vld.idx.msk [tilespmem:v0+s5+$0x0], $0xffff;
	_ =	sdelay $0x2  }
0x1d: {  	s28 =	simm.s32 $0x10  }
0x1e: {  	v2 =	vld [tilespmem:s28+$0x0]  }
0x1f: {  	v0 =	vld.idx.msk [tilespmem:v0+s6+$0x0], $0xffff;
	v1 =	vmax.f32 v1, $-2.500000000e+00  }
0x20: {  	v7 =	vmin.f32 v1, $2.500000000e+00  }
0x21: {  	v10 =	vmul.f32 v7, v7;
	_ =	sdelay $0x1  }
0x22: {  	v1 =	vmul.f32 $9.343046940e-07, v10  }
0x23: {  	v0 =	vmax.f32 v0, $-2.500000000e+00  }
0x24: {  	v11 =	vmin.f32 v0, $2.500000000e+00;
	v0 =	vsub.f32 $2.511577620e-05, v1  }
0x25: {  	v12 =	vmul.f32 v11, v11  }
0x26: {  	s29 =	simm.s32 $0x20;
	v1 =	vld.idx.msk [tilespmem:v2+s5+$0x0], $0xffff;
	v0 =	vmul.f32 v0, v10  }
0x27: {  	v4 =	vld [tilespmem:s29+$0x0];
	v3 =	vmul.f32 $9.343046940e-07, v12  }
0x28: {  	v0 =	vadd.f32 $-2.880755350e-04, v0  }
0x29: {  	v3 =	vsub.f32 $2.511577620e-05, v3  }
0x2a: {  	v2 =	vld.idx.msk [tilespmem:v2+s6+$0x0], $0xffff;
	v0 =	vmul.f32 v0, v10  }
0x2b: {  	v3 =	vmul.f32 v3, v12;
	v1 =	vmax.f32 v1, $-2.500000000e+00  }
0x2c: {  	v5 =	vmin.f32 v1, $2.500000000e+00;
	v0 =	vadd.f32 $1.877368540e-03, v0  }
0x2d: {  	s30 =	simm.s32 $0x30;
	v1 =	vadd.f32 $-2.880755350e-04, v3;
	v8 =	vmul.f32 v5, v5  }
0x2e: {  	v3 =	vld [tilespmem:s30+$0x0];
	v0 =	vmul.f32 v0, v10  }
0x2f: {  	v13 =	vld.idx.msk [tilespmem:v4+s6+$0x0], $0xffff;
	v2 =	vmax.f32 v2, $-2.500000000e+00;
	v1 =	vmul.f32 v1, v12;
	v14 =	vmul.f32 $9.343046940e-07, v8  }
0x30: {  	v6 =	vmin.f32 v2, $2.500000000e+00;
	v2 =	vld.idx.msk [tilespmem:v4+s5+$0x0], $0xffff;
	v0 =	vadd.f32 $-7.967428300e-03, v0  }
0x31: {  	v1 =	vadd.f32 $1.877368540e-03, v1;
	v4 =	vsub.f32 $2.511577620e-05, v14  }
0x32: {  	v9 =	vmul.f32 v6, v6;
	v0 =	vmul.f32 v0, v10  }
0x33: {  	v1 =	vmul.f32 v1, v12;
	v4 =	vmul.f32 v4, v8  }
0x34: {  	v13 =	vmax.f32 v13, $-2.500000000e+00;
	v14 =	vmul.f32 $9.343046940e-07, v9;
	v15 =	vadd.f32 $2.486998220e-02, v0  }
0x35: {  	v2 =	vmax.f32 v2, $-2.500000000e+00;
	v1 =	vadd.f32 $-7.967428300e-03, v1;
	v4 =	vadd.f32 $-2.880755350e-04, v4  }
0x36: {  	v14 =	vsub.f32 $2.511577620e-05, v14;
	v16 =	vld.idx.msk [tilespmem:v3+s6+$0x0], $0xffff;
	v0 =	vmin.f32 v13, $2.500000000e+00;
	v15 =	vmul.f32 v15, v10  }
0x37: {  	v13 =	vld.idx.msk [tilespmem:v3+s5+$0x0], $0xffff;
	v17 =	vmul.f32 v1, v12;
	v3 =	vmin.f32 v2, $2.500000000e+00;
	v2 =	vmul.f32 v4, v8  }
0x38: {  	v14 =	vmul.f32 v14, v9;
	v15 =	vadd.f32 $-6.618870050e-02, v15  }
0x39: {  	v1 =	vmul.f32 v0, v0;
	v17 =	vadd.f32 $2.486998220e-02, v17;
	v2 =	vadd.f32 $1.877368540e-03, v2  }
0x3a: {  	s31 =	simm.s32 $0x40;
	v4 =	vmul.f32 v3, v3;
	v14 =	vadd.f32 $-2.880755350e-04, v14;
	v10 =	vmul.f32 v15, v10  }
0x3b: {  	v18 =	vld [tilespmem:s31+$0x0];
	v16 =	vmax.f32 v16, $-2.500000000e+00;
	v2 =	vmul.f32 v2, v8;
	v15 =	vmul.f32 v17, v12  }
0x3c: {  	v14 =	vmul.f32 v14, v9;
	v19 =	vmul.f32 $9.343046940e-07, v4;
	v17 =	vld [tilespmem:s4+$0x0];
	v10 =	vadd.f32 $1.999772640e-01, v10  }
0x3d: {  	v20 =	vmul.f32 $9.343046940e-07, v1;
	v2 =	vadd.f32 $-7.967428300e-03, v2;
	v15 =	vadd.f32 $-6.618870050e-02, v15  }
0x3e: {  	v14 =	vadd.f32 $1.877368540e-03, v14;
	v19 =	vsub.f32 $2.511577620e-05, v19;
	v7 =	vmul.f32 v10, v7  }
0x3f: {  	v13 =	vmax.f32 v13, $-2.500000000e+00;
	v10 =	vmul.f32 v15, v12;
	v12 =	vmul.f32 v2, v8  }
0x40: {  	v20 =	vsub.f32 $2.511577620e-05, v20;
	v14 =	vmul.f32 v14, v9;
	v15 =	vmul.f32 v19, v4  }
0x41: {  	v10 =	vadd.f32 $1.999772640e-01, v10;
	v7 =	vmul.f32 v7, v17;
	v12 =	vadd.f32 $2.486998220e-02, v12  }
0x42: {  	v14 =	vadd.f32 $-7.967428300e-03, v14;
	v2 =	vmin.f32 v16, $2.500000000e+00;
	v15 =	vadd.f32 $-2.880755350e-04, v15  }
0x43: {  	v10 =	vmul.f32 v10, v11;
	v11 =	vadd.f32 v7, v17;
	v16 =	vmul.f32 v12, v8;
	v12 =	vld.idx.msk [tilespmem:v18+s6+$0x0], $0xffff  }
0x44: {  	v7 =	vmin.f32 v13, $2.500000000e+00;
	v17 =	vmul.f32 v14, v9;
	v14 =	vld.idx.msk [tilespmem:v18+s5+$0x0], $0xffff  }
0x45: {  	v15 =	vmul.f32 v15, v4;
	v13 =	vmul.f32 v20, v1;
	v11 =	vadd.f32 v11, v10  }
0x46: {  	s9 =	simm.s32 $0x50;
	s7 =	simm.s32 $0x800;
	s8 =	simm.s32 $0x40;
	v10 =	vmul.f32 v2, v2;
	v16 =	vadd.f32 $-6.618870050e-02, v16;
	v17 =	vadd.f32 $2.486998220e-02, v17  }
.LBB2_1:
0x47: {  	v18 =	vld [tilespmem:s9+$0x0];
	v19 =	vmul.f32 v7, v7;
	v15 =	vadd.f32 $1.877368540e-03, v15;
	v13 =	vadd.f32 $-2.880755350e-04, v13;
	[tilespmem:s7+$0x0] =	vst v11  }
0x48: {  	v11 =	vmax.f32 v12, $-2.500000000e+00;
	s4 =	sadd.s32 $0x10, s4;
	v12 =	vmul.f32 v16, v8;
	v16 =	vmul.f32 v17, v9;
	v8 =	vmovc v4  }
0x49: {  	v17 =	vmax.f32 v14, $-2.500000000e+00;
	v14 =	vmul.f32 v15, v8;
	v13 =	vmul.f32 v13, v1;
	v15 =	vld [tilespmem:s4+$0x0];
	v4 =	vmovc v19  }
0x4a: {  	v19 =	vmul.f32 $9.343046940e-07, v4;
	v12 =	vadd.f32 $1.999772640e-01, v12;
	v16 =	vadd.f32 $-6.618870050e-02, v16  }
0x4b: {  	v20 =	vmul.f32 $9.343046940e-07, v10;
	v14 =	vadd.f32 $-7.967428300e-03, v14;
	v13 =	vadd.f32 $1.877368540e-03, v13  }
0x4c: {  	v19 =	vsub.f32 $2.511577620e-05, v19;
	v12 =	vmul.f32 v12, v5;
	v16 =	vmul.f32 v16, v9;
	v5 =	vmovc v3;
	v3 =	vmovc v7  }
0x4d: {  	s8 =	sadd.s32 $0x10, s8;
	v20 =	vsub.f32 $2.511577620e-05, v20;
	v9 =	vmovc v1;
	v7 =	vmul.f32 v14, v8;
	v13 =	vmul.f32 v13, v1;
	v1 =	vmovc v10  }
0x4e: {  	p0 =	slt.u32 s8, $0x3F0;
	v10 =	vmul.f32 v19, v4;
	v16 =	vadd.f32 $1.999772640e-01, v16;
	v19 =	vmul.f32 v12, v15  }
.Ltmp0:
0x4f: {  	v21 =	vmin.f32 v11, $2.500000000e+00;
	v12 =	vld.idx.msk [tilespmem:v18+s6+$0x0], $0xffff;
	v11 =	vadd.f32 $2.486998220e-02, v7;
	v13 =	vadd.f32 $-7.967428300e-03, v13;
	(pc) =	sbr.rel @p0 .LBB2_1-.Ltmp0, $4  }
0x50: {  	v14 =	vld.idx.msk [tilespmem:v18+s5+$0x0], $0xffff;
	v10 =	vadd.f32 $-2.880755350e-04, v10;
	v16 =	vmul.f32 v16, v6;
	v18 =	vadd.f32 v19, v15;
	v6 =	vmovc v0  }
0x51: {  	v7 =	vmin.f32 v17, $2.500000000e+00;
	v0 =	vmovc v2;
	v2 =	vmovc v21;
	v17 =	vmul.f32 v11, v8;
	v19 =	vmul.f32 v13, v9  }
0x52: {  	v13 =	vmul.f32 v20, v1;
	v15 =	vmul.f32 v10, v4;
	v11 =	vadd.f32 v18, v16  }
0x53: {  	s9 =	sadd.s32 $0x10, s9;
	s7 =	sadd.s32 $0x10, s7;
	v10 =	vmul.f32 v21, v2;
	v16 =	vadd.f32 $-6.618870050e-02, v17;
	v17 =	vadd.f32 $2.486998220e-02, v19  }
0x54: {  	_ = 	snop  }
0x55: {  	v14 =	vmax.f32 v14, $-2.500000000e+00  }
0x56: {  	v18 =	vmul.f32 v7, v7;
	v15 =	vadd.f32 $1.877368540e-03, v15;
	v14 =	vmin.f32 v14, $2.500000000e+00  }
0x57: {  	v12 =	vmax.f32 v12, $-2.500000000e+00;
	v17 =	vmul.f32 v17, v9;
	v20 =	vmul.f32 v14, v14  }
0x58: {  	v13 =	vadd.f32 $-2.880755350e-04, v13;
	v8 =	vmul.f32 v16, v8;
	v19 =	vmul.f32 $9.343046940e-07, v18  }
0x59: {  	v12 =	vmin.f32 v12, $2.500000000e+00;
	v21 =	vmul.f32 $9.343046940e-07, v10;
	v37 =	vmul.f32 $9.343046940e-07, v20  }
0x5a: {  	v40 =	vmul.f32 v12, v12;
	v44 =	vmul.f32 v15, v4;
	v36 =	vsub.f32 $2.511577620e-05, v19  }
0x5b: {  	v13 =	vmul.f32 v13, v1;
	v35 =	vadd.f32 $-6.618870050e-02, v17;
	v19 =	vsub.f32 $2.511577620e-05, v37  }
0x5c: {  	v8 =	vadd.f32 $1.999772640e-01, v8;
	v45 =	vsub.f32 $2.511577620e-05, v21;
	v39 =	vmul.f32 v36, v18  }
0x5d: {  	s4 =	sadd.s32 $0x10, s4;
	v43 =	vmul.f32 $9.343046940e-07, v40;
	v13 =	vadd.f32 $1.877368540e-03, v13;
	v19 =	vmul.f32 v19, v20  }
0x5e: {  	v48 =	vld [tilespmem:s4+$0x0];
	v38 =	vmul.f32 v35, v9;
	v5 =	vmul.f32 v8, v5;
	v42 =	vadd.f32 $-2.880755350e-04, v39  }
0x5f: {  	v15 =	vmul.f32 v45, v10;
	v16 =	vsub.f32 $2.511577620e-05, v43;
	v19 =	vadd.f32 $-2.880755350e-04, v19  }
0x60: {  	v8 =	vadd.f32 $-7.967428300e-03, v44;
	v13 =	vmul.f32 v13, v1;
	v9 =	vmul.f32 v42, v18  }
0x61: {  	v16 =	vmul.f32 v16, v40;
	v19 =	vmul.f32 v19, v20  }
0x62: {  	v8 =	vmul.f32 v8, v4;
	v15 =	vadd.f32 $-2.880755350e-04, v15;
	v9 =	vadd.f32 $1.877368540e-03, v9  }
0x63: {  	v5 =	vmul.f32 v5, v48;
	v16 =	vadd.f32 $-2.880755350e-04, v16;
	v19 =	vadd.f32 $1.877368540e-03, v19  }
0x64: {  	v41 =	vadd.f32 $1.999772640e-01, v38;
	v15 =	vmul.f32 v15, v10;
	v9 =	vmul.f32 v9, v18  }
0x65: {  	v8 =	vadd.f32 $2.486998220e-02, v8;
	v16 =	vmul.f32 v16, v40;
	v19 =	vmul.f32 v19, v20  }
0x66: {  	v6 =	vmul.f32 v41, v6;
	v15 =	vadd.f32 $1.877368540e-03, v15;
	v9 =	vadd.f32 $-7.967428300e-03, v9  }
0x67: {  	v8 =	vmul.f32 v8, v4;
	v16 =	vadd.f32 $1.877368540e-03, v16;
	v19 =	vadd.f32 $-7.967428300e-03, v19  }
0x68: {  	v13 =	vadd.f32 $-7.967428300e-03, v13;
	v15 =	vmul.f32 v15, v10;
	v9 =	vmul.f32 v9, v18  }
0x69: {  	v8 =	vadd.f32 $-6.618870050e-02, v8;
	v16 =	vmul.f32 v16, v40;
	v19 =	vmul.f32 v19, v20  }
0x6a: {  	v13 =	vmul.f32 v13, v1;
	v47 =	vadd.f32 $-7.967428300e-03, v15;
	v9 =	vadd.f32 $2.486998220e-02, v9  }
0x6b: {  	v46 =	vmul.f32 v8, v4;
	v16 =	vadd.f32 $-7.967428300e-03, v16;
	v19 =	vadd.f32 $2.486998220e-02, v19  }
0x6c: {  	v13 =	vadd.f32 $2.486998220e-02, v13;
	v8 =	vmul.f32 v47, v10;
	v9 =	vmul.f32 v9, v18  }
0x6d: {  	s4 =	sadd.s32 $0x10, s4;
	v4 =	vadd.f32 $1.999772640e-01, v46;
	v16 =	vmul.f32 v16, v40;
	v19 =	vmul.f32 v19, v20  }
0x6e: {  	v49 =	vld [tilespmem:s4+$0x0];
	v13 =	vmul.f32 v13, v1;
	v8 =	vadd.f32 $2.486998220e-02, v8;
	v9 =	vadd.f32 $-6.618870050e-02, v9  }
0x6f: {  	v3 =	vmul.f32 v4, v3;
	v16 =	vadd.f32 $2.486998220e-02, v16;
	v50 =	vadd.f32 $-6.618870050e-02, v19  }
0x70: {  	s4 =	sadd.s32 $0x10, s4;
	v13 =	vadd.f32 $-6.618870050e-02, v13;
	v8 =	vmul.f32 v8, v10;
	v9 =	vmul.f32 v9, v18  }
0x71: {  	v51 =	vld [tilespmem:s4+$0x0];
	s4 =	sadd.s32 $0x10, s4;
	v16 =	vmul.f32 v16, v40;
	v18 =	vmul.f32 v50, v20  }
0x72: {  	v53 =	vld [tilespmem:s4+$0x0];
	v52 =	vmul.f32 v13, v1;
	v8 =	vadd.f32 $-6.618870050e-02, v8;
	v9 =	vadd.f32 $1.999772640e-01, v9  }
0x73: {  	v3 =	vmul.f32 v3, v49;
	v16 =	vadd.f32 $-6.618870050e-02, v16;
	v18 =	vadd.f32 $1.999772640e-01, v18  }
0x74: {  	v1 =	vadd.f32 $1.999772640e-01, v52;
	v8 =	vmul.f32 v8, v10;
	v54 =	vmul.f32 v9, v7  }
0x75: {  	v5 =	vadd.f32 v5, v48;
	v56 =	vmul.f32 v16, v40;
	v55 =	vmul.f32 v18, v14  }
0x76: {  	v0 =	vmul.f32 v1, v0;
	v57 =	vadd.f32 $1.999772640e-01, v8;
	v7 =	vmul.f32 v54, v51  }
0x77: {  	v3 =	vadd.f32 v3, v49;
	v58 =	vadd.f32 $1.999772640e-01, v56;
	v59 =	vmul.f32 v55, v53  }
0x78: {  	v5 =	vadd.f32 v5, v6;
	v1 =	vmul.f32 v57, v2;
	v60 =	vadd.f32 v7, v51  }
0x79: {  	[tilespmem:s7+$0x0] =	vst v11;
	s28 =	sadd.s32 $0x10, s7;
	v0 =	vadd.f32 v3, v0;
	v61 =	vmul.f32 v58, v12;
	v62 =	vadd.f32 v59, v53  }
0x7a: {  	s4 =	sadd.s32 $0x10, s28;
	[tilespmem:s28+$0x0] =	vst v5;
	v1 =	vadd.f32 v60, v1  }
0x7b: {  	[tilespmem:s4+$0x0] =	vst v0;
	s4 =	sadd.s32 $0x10, s4;
	v63 =	vadd.f32 v62, v61  }
0x7c: {  	s2 =	sadd.s32 s2, s3;
	[tilespmem:s4+$0x0] =	vst v1;
	s4 =	sadd.s32 $0x10, s4  }
0x7d: {  	s29 =	simm.s32 $0x0;
	s30 =	simm.s32 $0x800;
	s31 =	simm.s32 $0x2;
	[tilespmem:s4+$0x0] =	vst v63  }
0x7e: {  	[hbm4b:s2+s29] =	stream.linear.scatter [tilespmem:s30], [sflag:$0x2], $0x400, $0x38;
	[tilespmem:$0x1400] =	vst v63  }
0x7f: {  	_ =	swait.ge [sflag:s31], $0x400  }
0x80: {  	[sflag:s31] =	ssyncset.done $0x0  }
0x81: {  	[sflag:s31] =	ssyncadd.s32 $0xFFFFFC00  }
0x82: {  	_ =	sfence.sel $0x180000  }
0x83: {  	[bflag:$0x0] =	sbarrier.arrive $0xFFFF  }
0x84: {  	p0 =	sne.s32 s1, $0x0;
	_ =	strace $0x90000047  }
0x85: {  	s0 =	sadd.s32 @!p0 $0x100000, s0;
	[bflag:$0x2] =	sbarrier.arrive $0xFFFF  }
0x86: {  	[sflag:s0] =	ssyncadd.tile.s32 @!p0 $0x1;
	_ =	shalt  }
.Lfunc_end2:
_tile_overlayer_lowered:
.L_overlay_start_2:
0x87: {  	(tag) =	ssettag $0x2  }
0x88: {  	s0 =	rddreg [dreg:$0x0];
	s2 =	stileid.u32  }
0x89: {  	s1 =	rddreg [dreg:$0x1];
	p0 =	sne.s32 s2, $0x0  }
0x8a: {  	s3 =	rddreg [dreg:$0x2];
	[bflag:$0x3] =	sbarrier.arrive $0xFFFF;
	s2 =	simm.s32 @!p0 $0x1C02  }
0x8b: {  	[timem:s3], [sflag:s2] =	dma.local @!p0 [hbm:s0], s1  }
0x8c: {  	s0 =	simm.s32 @!p0 $0x2  }
0x8d: {  	_ =	swait.ge @!p0 [sflag:s0], s1  }
0x8e: {  	s1 =	ssub.s32 @!p0 $0x0, s1;
	[sflag:s0] =	ssyncset.done @!p0 $0x0  }
0x8f: {  	[sflag:s0] =	ssyncadd.s32 @!p0 s1  }
0x90: {  	[bflag:$0x3] =	sbarrier.arrive $0xFFFF  }
0x91: {  	_ =	shalt  }

</sc_bundles>
